<compile_context>
chip_gen: v7x
topology: tpu7x:2x2x1
jax: 0.10.2.dev20260603
libtpu: 0.0.44.dev20260713+nightly
codegen_flags: <defaults>
</compile_context>

<pallas_src>
import functools

import jax
import jax.numpy as jnp
from jax import lax
from jax.experimental import pallas as pl
from jax.experimental.pallas import tpu as pltpu
from jax.experimental.pallas import tpu_sc as plsc

CODEBOOK = 8192
DIM = 768
COMMIT = 0.25
LANES = 16

R_SC = 512
R_TC = CODEBOOK - R_SC
NB = 8
BKT = R_TC // NB
NBUF = 4

NTILES = 32
RPT = R_SC // NTILES
CH = LANES
NCH = RPT // CH
NZC = DIM // LANES


def _dots_body(z_ref, w_hbm, tmax_ref, tidx_ref, trow_ref, bufs, sems):
    zb = z_ref[...]

    def start(c):
        slot = c % NBUF
        pltpu.make_async_copy(
            w_hbm.at[pl.ds(c * BKT, BKT), :], bufs.at[slot], sems.at[slot]
        ).start()

    for c in range(min(NBUF, NB)):
        start(c)
    best_m = jnp.float32(-jnp.inf)
    best_i = jnp.int32(0)
    best_row = jnp.zeros((1, DIM), jnp.float32)
    for c in range(NB):
        slot = c % NBUF
        pltpu.make_async_copy(
            w_hbm.at[pl.ds(c * BKT, BKT), :], bufs.at[slot], sems.at[slot]
        ).wait()
        if c + NBUF < NB:
            start(c + NBUF)
        wb = bufs[slot]
        dots = lax.dot_general(wb, zb, (((1,), (0,)), ((), ())),
                               preferred_element_type=jnp.float32)
        m = jnp.max(dots)
        iota = lax.broadcasted_iota(jnp.int32, (BKT, 1), 0)
        cand = jnp.where(dots == m, iota, jnp.int32(BKT))
        a = jnp.min(cand)
        row = bufs[slot, pl.ds(a, 1), :]
        better = m > best_m
        best_row = jnp.where(better, row, best_row)
        best_i = jnp.where(better, a + c * BKT, best_i)
        best_m = jnp.where(better, m, best_m)
    tmax_ref[0] = best_m
    tidx_ref[0] = best_i
    trow_ref[...] = best_row


_dots_call = pl.pallas_call(
    _dots_body,
    in_specs=[
        pl.BlockSpec(memory_space=pltpu.VMEM),
        pl.BlockSpec(memory_space=pl.ANY),
    ],
    out_specs=[
        pl.BlockSpec(memory_space=pltpu.SMEM),
        pl.BlockSpec(memory_space=pltpu.SMEM),
        pl.BlockSpec(memory_space=pltpu.VMEM),
    ],
    out_shape=[
        jax.ShapeDtypeStruct((1,), jnp.float32),
        jax.ShapeDtypeStruct((1,), jnp.int32),
        jax.ShapeDtypeStruct((1, DIM), jnp.float32),
    ],
    scratch_shapes=[
        pltpu.VMEM((NBUF, BKT, DIM), jnp.float32),
        pltpu.SemaphoreType.DMA((NBUF,)),
    ],
)


_sc_mesh = plsc.VectorSubcoreMesh(core_axis_name="c", subcore_axis_name="s")


@functools.partial(
    pl.kernel,
    mesh=_sc_mesh,
    compiler_params=pltpu.CompilerParams(needs_layout_passes=False),
    out_type=(
        jax.ShapeDtypeStruct((NTILES, LANES), jnp.float32),
        jax.ShapeDtypeStruct((NTILES, LANES), jnp.int32),
        jax.ShapeDtypeStruct((NTILES, DIM), jnp.float32),
    ),
    scratch_types=[
        pltpu.VMEM((DIM,), jnp.float32),
        pltpu.VMEM((CH, DIM), jnp.float32),
        pltpu.VMEM((LANES,), jnp.int32),
        pltpu.VMEM((LANES,), jnp.float32),
        pltpu.VMEM((LANES,), jnp.int32),
        pltpu.VMEM((LANES, LANES + 1), jnp.float32),
        pltpu.VMEM((LANES,), jnp.float32),
        pltpu.VMEM((LANES,), jnp.int32),
        pltpu.VMEM((LANES, DIM), jnp.float32),
        pltpu.SemaphoreType.DMA,
    ],
)
def _sc_shard(w_hbm, z_hbm, scmax_hbm, scidx_hbm, scrows_hbm,
              z_v, buf0, idx_v, acc_v, tmpi_v, red_v, best_v, bidx_v,
              rows_v, semg):
    cid = lax.axis_index("c")
    sid = lax.axis_index("s")
    wid = cid * LANES + sid
    row0 = R_TC + wid * RPT
    lane = lax.broadcasted_iota(jnp.int32, (LANES,), 0)

    pltpu.sync_copy(z_hbm, z_v)
    best_v[...] = jnp.full((LANES,), -jnp.inf, jnp.float32)
    bidx_v[...] = jnp.zeros((LANES,), jnp.int32)

    @pl.loop(0, NCH)
    def _scan(k):
        base = row0 + k * CH
        idx_v[...] = base + lane
        pltpu.async_copy(w_hbm.at[idx_v], buf0, semg).wait()
        accs = [jnp.zeros((LANES,), jnp.float32) for _ in range(CH)]
        for j in range(NZC):
            sl = pl.ds(j * LANES, LANES)
            zj = z_v[sl]
            for r in range(CH):
                accs[r] = accs[r] + buf0[r, sl] * zj
        for r in range(CH):
            red_v[r, pl.ds(0, LANES)] = accs[r]
        dots = jnp.zeros((LANES,), jnp.float32)
        for c_ in range(LANES):
            col = jnp.full((LANES,), c_, jnp.int32)
            dots = dots + plsc.load_gather(red_v, [lane, col])
        rowids = base + lane
        better = dots > best_v[...]
        bidx_v[...] = jnp.where(better, rowids, bidx_v[...])
        best_v[...] = jnp.where(better, dots, best_v[...])

    bv = best_v[...]
    iv = bidx_v[...]
    for stp in (1, 2, 4, 8):
        acc_v[...] = bv
        tmpi_v[...] = iv
        pv = plsc.load_gather(acc_v, [lane ^ stp])
        pi = plsc.load_gather(tmpi_v, [lane ^ stp])
        take = (pv > bv) | ((pv == bv) & (pi < iv))
        bv = jnp.where(take, pv, bv)
        iv = jnp.where(take, pi, iv)
    best_v[...] = bv
    bidx_v[...] = iv

    pltpu.async_copy(w_hbm.at[bidx_v], rows_v, semg).wait()
    pltpu.sync_copy(best_v, scmax_hbm.at[wid])
    pltpu.sync_copy(bidx_v, scidx_hbm.at[wid])
    pltpu.sync_copy(rows_v.at[0], scrows_hbm.at[wid])


def _merge_body(tmax_ref, tidx_ref, trow_ref, scmax_ref, scidx_ref,
                scrows_ref, z_ref, qst_ref, idx_ref, loss_ref):
    best_m = tmax_ref[0]
    best_i = tidx_ref[0]
    sel_tc = jnp.int32(1)
    swin = jnp.int32(0)
    for s in range(NTILES):
        m = scmax_ref[s, 0]
        i_ = scidx_ref[s, 0]
        better = m > best_m
        best_m = jnp.where(better, m, best_m)
        best_i = jnp.where(better, i_, best_i)
        swin = jnp.where(better, jnp.int32(s), swin)
        sel_tc = jnp.where(better, jnp.int32(0), sel_tc)
    row_sc = scrows_ref[pl.ds(swin, 1), :]
    q = jnp.where(sel_tc == 1, trow_ref[0, :], row_sc[0, :])
    zb = z_ref[0, :]
    d = zb - q
    qst_ref[0, :] = zb - d
    loss = jnp.float32(COMMIT) * (jnp.sum(d * d) / jnp.float32(DIM))
    idx_ref[0] = best_i
    loss_ref[0] = loss


_merge_call = pl.pallas_call(
    _merge_body,
    in_specs=[
        pl.BlockSpec(memory_space=pltpu.SMEM),
        pl.BlockSpec(memory_space=pltpu.SMEM),
        pl.BlockSpec(memory_space=pltpu.VMEM),
        pl.BlockSpec(memory_space=pltpu.SMEM),
        pl.BlockSpec(memory_space=pltpu.SMEM),
        pl.BlockSpec(memory_space=pltpu.VMEM),
        pl.BlockSpec(memory_space=pltpu.VMEM),
    ],
    out_specs=[
        pl.BlockSpec(memory_space=pltpu.VMEM),
        pl.BlockSpec(memory_space=pltpu.SMEM),
        pl.BlockSpec(memory_space=pltpu.SMEM),
    ],
    out_shape=[
        jax.ShapeDtypeStruct((1, DIM), jnp.float32),
        jax.ShapeDtypeStruct((1,), jnp.int32),
        jax.ShapeDtypeStruct((1,), jnp.float32),
    ],
)


@functools.partial(
    pl.kernel,
    mesh=_sc_mesh,
    compiler_params=pltpu.CompilerParams(needs_layout_passes=False),
    out_type=jax.ShapeDtypeStruct((LANES,), jnp.float32),
    scratch_types=[pltpu.VMEM((LANES,), jnp.float32)],
)
def _sc_minimal(z_hbm, out_hbm, v):
    @pl.when((lax.axis_index("c") == 0) & (lax.axis_index("s") == 0))
    def _():
        v[...] = jnp.full((LANES,), 1.0, jnp.float32)
        pltpu.sync_copy(v, out_hbm)


def kernel(z, W):
    o = _sc_minimal(z)
    return z, jnp.int32(0) + o[0].astype(jnp.int32), o[0]

# --- scband reference (transcript-rebuilt; emitter-appended) ---
"""Pipeline reference for scband-vector-quantizer-14508399526337 (READ-ONLY COPY).

The authoritative reference and input builder live on the scoring server;
editing this copy changes nothing except your own understanding.
"""

import jax, jax.numpy as jnp
import numpy as np

CODEBOOK_SIZE = 8192
DIM = 768
COMMITMENT_COST = 0.25


def setup_inputs(seed: int = 0) -> dict:
    key = jax.random.key(seed)
    kz, kw = jax.random.split(key)
    z = jax.random.normal(kz, (DIM,), dtype=jnp.float32)
    z = z / jnp.linalg.norm(z)
    W = jax.random.uniform(kw, (CODEBOOK_SIZE, DIM), minval=-1.0 / CODEBOOK_SIZE, maxval=1.0 / CODEBOOK_SIZE, dtype=jnp.float32)
    W = W / jnp.linalg.norm(W, axis=-1, keepdims=True)
    return {"z": z, "W": W}


def reference(z, W):
    # dots = embedding.weight @ z  -> (codebook_size,)
    dots = jnp.matmul(W, z)
    index = jnp.argmax(dots)
    # codebook gather
    quantized = jnp.take(W, index, axis=0)
    # commitment loss (codebook entry detached, EMA mode)
    commit_loss = jnp.mean((z - jax.lax.stop_gradient(quantized)) ** 2)
    loss = COMMITMENT_COST * commit_loss
    # straight-through estimator
    quantized_st = z + jax.lax.stop_gradient(quantized - z)
    return (quantized_st, index, loss)

if __name__ == "__main__":
    import jax
    _d = setup_inputs()
    print(jax.jit(kernel)(*tuple(_d.values())))

</pallas_src>

<mosaic_0001>
#map = affine_map<(d0, d1) -> (0)>
module attributes {stable_mosaic.version = 14 : i64} {
  func.func @_sc_minimal(%arg0: i32, %arg1: i32, %arg2: memref<768xf32, #tpu.memory_space<hbm>>, %arg3: memref<16xf32, #tpu.memory_space<hbm>>, %arg4: memref<16xf32, #tpu.memory_space<vmem>>) attributes {dimension_semantics = [#tpu.dimension_semantics<core_parallel>, #tpu.dimension_semantics<subcore_parallel>], iteration_bounds = array<i64: 2, 16>, scalar_prefetch = 0 : i64, scratch_operands = 1 : i64, tpu.core_type = #tpu.core_type<sc_vector_subcore>, window_params = [{transform_indices = #map}, {transform_indices = #map}]} {
    %eq3A = arith.constant 0 : i32
    %eq3A_0 = arith.cmpi eq, %arg0, %eq3A : i32
    %eq3A_1 = arith.constant 0 : i32
    %eq3A_2 = arith.cmpi eq, %arg1, %eq3A_1 : i32
    %and3A = arith.andi %eq3A_0, %eq3A_2 : i1
    %convert_element_type3A = arith.extui %and3A : i1 to i32
    %cond3A = arith.constant 0 : i32
    %cond3A_3 = arith.cmpi ne, %convert_element_type3A, %cond3A : i32
    scf.if %cond3A_3 {
      %broadcast_in_dim3A = arith.constant 1.000000e+00 : f32
      %broadcast_in_dim3A_4 = vector.broadcast %broadcast_in_dim3A : f32 to vector<16xf32>
      %swap3A = arith.constant 0 : index
      %swap3A_5 = tpu.vector_load %arg4[%swap3A] {strides = array<i32>} : memref<16xf32, #tpu.memory_space<vmem>>, vector<16xf32>,
      tpu.vector_store %arg4[%swap3A], %broadcast_in_dim3A_4 {strides = array<i32>} : memref<16xf32, #tpu.memory_space<vmem>>, vector<16xf32>,
      "tpu.region"() ({
        %run_scoped3A = tpu.sem_alloc : memref<!tpu.dma_semaphore, #tpu.memory_space<semaphore_mem>>
        tpu.enqueue_dma source(%arg4 : memref<16xf32, #tpu.memory_space<vmem>>) target(%arg3 : memref<16xf32, #tpu.memory_space<hbm>>) target_semaphore(%run_scoped3A : memref<!tpu.dma_semaphore, #tpu.memory_space<semaphore_mem>>)
        tpu.wait_dma2 semaphore(%run_scoped3A : memref<!tpu.dma_semaphore, #tpu.memory_space<semaphore_mem>>) src(%arg4 : memref<16xf32, #tpu.memory_space<vmem>>) dst(%arg3 : memref<16xf32, #tpu.memory_space<hbm>>)
        tpu.yield
      }) : () -> ()
    } else {
    }
    return
  }
}

</mosaic_0001>

<sc_bundles>
// kernel: kernel.3.cloned.1.call-start
scs
__scs_entry_jumppad:
0x0: {  	(pc) =	sbr.rel $0x88, $3  }
0x1: {  	(tag) =	ssettag $0x0;
	lr =	simm.s32 $0x1  }
0x2: {  	[smem:$0x3FA0] =	sst lr;
	_ =	strace $0xD0000000  }
0x3: {  	_ = 	snop  }
0x4: {  	_ = 	snop  }
0x5: {  	_ = 	snop  }
0x6: {  	_ = 	snop  }
0x7: {  	_ = 	snop  }
__scs_overlays_trampoline_lowered:
0x8: {  	[smem:$0x3FAF] =	sst s0  }
0x9: {  	[smem:$0x3FB0] =	sst s1  }
0xa: {  	[smem:$0x3FB1] =	sst s2  }
0xb: {  	[smem:$0x3FB2] =	sst s3  }
0xc: {  	[smem:$0x3FB3] =	sst s4  }
0xd: {  	[smem:$0x3FB4] =	sst s5  }
0xe: {  	[smem:$0x3FB5] =	sst s6  }
0xf: {  	[smem:$0x3FB6] =	sst s7  }
0x10: {  	[smem:$0x3FB7] =	sst s8  }
0x11: {  	[smem:$0x3FB8] =	sst s9;
	s0 =	simm.s32 @!p0 $0x0  }
0x12: {  	s1 =	sld [smem:$0x3F9E];
	s0 =	simm.s32 @p0 $0x1  }
0x13: {  	[smem:$0x3FB9] =	sst s0;
	s0 =	simm.s32 @!p1 $0x0  }
0x14: {  	s2 =	sld [smem:$0x3F9D];
	s0 =	simm.s32 @p1 $0x1  }
0x15: {  	[smem:$0x3FBA] =	sst s0;
	s0 =	simm.s32 @!p2 $0x0  }
0x16: {  	s3 =	sld [smem:$0x3FDB];
	s0 =	simm.s32 @p2 $0x1  }
0x17: {  	s4 =	simm.s32 $0x1BF5;
	[smem:$0x3FBC] =	sst s0  }
0x18: {  	s0 =	sld [smem:$0x3F9F];
	_ =	swait.ge [sflag:s4], $0x0  }
0x19: {  	s7 =	sld [smem:$0x3FA0]  }
0x1a: {  	s8 =	sadd.s32 $0xFFFFE003, lr  }
0x1b: {  	s9 =	sadd.s32 $0xFFFFFEF7, lr;
	s5 =	simm.s32 $0xFFFFFFFF;
	p2 =	slt.u32 s8, $0xFFFFF086  }
0x1c: {  	p1 =	slt.u32 s9, $0xF7A;
	s5 =	simm.s32 @!p2 $0x0  }
0x1d: {  	s5 =	simm.s32 @p1 $0x1;
	p0 =	seq.s32 s7, s2  }
0x1e: {  	s7 =	smul.u32 @!p0 $0xF7A, s2;
	p2 =	seq.s32 @!p0 s5, $0x0  }
0x1f: {  	s9 =	smul.u32 $0xF7A, s1;
	s8 =	simm.s32 @!p0 $0x1BF5;
	p2 =	por !p2, p0  }
0x20: {  	[sflag:s8] =	ssyncset.s32 @!p0 $0xFFFFF086;
	s6 =	sadd.s32 @!p0 s3, s7;
	s7 =	simm.s32 @!p0 $0x108  }
0x21: {  	s3 =	sadd.s32 s3, s9;
	s6 =	sadd.s32 @!p0 $0x88, s6;
	s7 =	simm.s32 @p2 $0x1082  }
0x22: {  	[simem:s7], [sflag:s8] =	dma.local @!p0 [hbm:s6], $0xF7A  }
0x23: {  	s9 =	sor.u32 $0xD0000000, s2;
	s6 =	simm.s32 $0x108;
	_ =	swait.ge @!p0 [sflag:s8], $0x0  }
0x24: {  	s3 =	sadd.s32 $0x88, s3;
	s6 =	simm.s32 @!p1 $0x1082;
	[sflag:s4] =	ssyncset.s32 $0xFFFFF086  }
0x25: {  	[simem:s6], [sflag:s4] =	dma.local [hbm:s3], $0xF7A  }
0x26: {  	[smem:$0x3FA0] =	sst s1;
	(tag) =	ssettag s2;
	_ =	strace s9  }
0x27: {  	s1 =	sld [smem:$0x3FB0]  }
0x28: {  	s2 =	sld [smem:$0x3FB1]  }
0x29: {  	s4 =	sld [smem:$0x3FB3]  }
0x2a: {  	p0 =	seq.s32 s5, $0x0;
	s5 =	sld [smem:$0x3FB4]  }
0x2b: {  	s6 =	sld [smem:$0x3FB5]  }
0x2c: {  	s7 =	sld [smem:$0x3FB6]  }
0x2d: {  	s3 =	simm.s32 $0x108;
	s8 =	sld [smem:$0x3FB7]  }
0x2e: {  	s3 =	simm.s32 @!p0 $0x1082;
	s9 =	sld [smem:$0x3FB8]  }
0x2f: {  	lr =	sadd.s32 s0, s3;
	s0 =	sld [smem:$0x3FAF]  }
0x30: {  	s3 =	sld [smem:$0x3FB2]  }
0x31: {  	[smem:$0x3FBB] =	sst s10  }
0x32: {  	s10 =	sld [smem:$0x3FB9];
	_ =	sdelay $0x3  }
0x33: {  	p0 =	seq.s32 s10, $0x1;
	s10 =	sld [smem:$0x3FBB];
	_ =	sdelay $0x3  }
0x34: {  	[smem:$0x3FBB] =	sst s10  }
0x35: {  	s10 =	sld [smem:$0x3FBA];
	_ =	sdelay $0x3  }
0x36: {  	p1 =	seq.s32 s10, $0x1;
	s10 =	sld [smem:$0x3FBB];
	_ =	sdelay $0x3  }
0x37: {  	[smem:$0x3FBB] =	sst s10  }
0x38: {  	s10 =	sld [smem:$0x3FBC]  }
0x39: {  	_ = 	snop;
	(pc) =	sbr.ind lr, $3  }
0x3a: {  	_ = 	snop  }
0x3b: {  	_ = 	snop  }
0x3c: {  	p2 =	seq.s32 s10, $0x1;
	s10 =	sld [smem:$0x3FBB]  }
0x3d: {  	_ =	shalt  }
0x3e: {  	_ =	shalt  }
0x3f: {  	_ =	shalt  }
0x40: {  	_ =	shalt  }
0x41: {  	_ =	shalt  }
0x42: {  	_ =	shalt  }
0x43: {  	_ =	shalt  }
0x44: {  	_ =	shalt  }
0x45: {  	_ =	shalt  }
0x46: {  	_ =	shalt  }
0x47: {  	_ =	shalt  }
0x48: {  	_ =	shalt  }
0x49: {  	_ =	shalt  }
0x4a: {  	_ =	shalt  }
0x4b: {  	_ =	shalt  }
0x4c: {  	_ =	shalt  }
0x4d: {  	_ =	shalt  }
0x4e: {  	_ =	shalt  }
0x4f: {  	_ =	shalt  }
0x50: {  	_ =	shalt  }
0x51: {  	_ =	shalt  }
0x52: {  	_ =	shalt  }
0x53: {  	_ =	shalt  }
0x54: {  	_ =	shalt  }
0x55: {  	_ =	shalt  }
0x56: {  	_ =	shalt  }
0x57: {  	_ =	shalt  }
0x58: {  	_ =	shalt  }
0x59: {  	_ =	shalt  }
0x5a: {  	_ =	shalt  }
0x5b: {  	_ =	shalt  }
0x5c: {  	_ =	shalt  }
0x5d: {  	_ =	shalt  }
0x5e: {  	_ =	shalt  }
0x5f: {  	_ =	shalt  }
0x60: {  	_ =	shalt  }
0x61: {  	_ =	shalt  }
0x62: {  	_ =	shalt  }
0x63: {  	_ =	shalt  }
0x64: {  	_ =	shalt  }
0x65: {  	_ =	shalt  }
0x66: {  	_ =	shalt  }
0x67: {  	_ =	shalt  }
0x68: {  	_ =	shalt  }
0x69: {  	_ =	shalt  }
0x6a: {  	_ =	shalt  }
0x6b: {  	_ =	shalt  }
0x6c: {  	_ =	shalt  }
0x6d: {  	_ =	shalt  }
0x6e: {  	_ =	shalt  }
0x6f: {  	_ =	shalt  }
0x70: {  	_ =	shalt  }
0x71: {  	_ =	shalt  }
0x72: {  	_ =	shalt  }
0x73: {  	_ =	shalt  }
0x74: {  	_ =	shalt  }
0x75: {  	_ =	shalt  }
0x76: {  	_ =	shalt  }
0x77: {  	_ =	shalt  }
0x78: {  	_ =	shalt  }
0x79: {  	_ =	shalt  }
0x7a: {  	_ =	shalt  }
0x7b: {  	_ =	shalt  }
0x7c: {  	_ =	shalt  }
0x7d: {  	_ =	shalt  }
0x7e: {  	_ =	shalt  }
0x7f: {  	_ =	shalt  }
0x80: {  	_ =	shalt  }
0x81: {  	_ =	shalt  }
0x82: {  	_ =	shalt  }
0x83: {  	_ =	shalt  }
0x84: {  	_ =	shalt  }
0x85: {  	_ =	shalt  }
0x86: {  	_ =	shalt  }
0x87: {  	_ =	shalt  }
.Lfunc_end0:
.L_simem_size_0:
called_computation_lowered:
.L_overlay_start_0:
0x88: {  	s2 =	sld [smem:$0x3FD9]  }
0x89: {  	s3 =	sld [smem:$0x3FFE];
	_ =	sdelay $0x1  }
0x8a: {  	s1 =	srdreg.scid  }
0x8b: {  	s0 =	sand.u32 $0x1, s1  }
0x8c: {  	s15 =	sshll.u32 s0, $0xA;
	s2 =	sadd.s32 s3, s2  }
0x8d: {  	s2 =	sadd.s32 s2, s15  }
0x8e: {  	[smem:$0x3FC7] =	sst s2  }
0x8f: {  	_ = 	snop  }
0x90: {  	s2 =	sld [smem:$0x3FD0];
	_ =	sdelay $0x2  }
0x91: {  	s16 =	simm.s32 $0xA;
	s4 =	simm.s32 $0x10  }
0x92: {  	[smem:s4], [sflag:s16] =	dma.local [hbm:s2], $0x1  }
0x93: {  	_ =	swait.eq [sflag:s16], $0x1  }
0x94: {  	[sflag:s16] =	ssyncset.done $0x0  }
0x95: {  	[sflag:s16] =	ssyncadd.s32 $0xFFFFFFFF  }
0x96: {  	s17 =	sld [smem:$0x12];
	(tm) =	ssettm $0x1  }
0x97: {  	s18 =	sld [smem:$0x3FFB];
	_ =	sdelay $0x3  }
0x98: {  	_ =	strace s18  }
0x99: {  	s3 =	sld [smem:$0x3FFC];
	_ =	sdelay $0x3  }
0x9a: {  	_ =	strace s3  }
0x9b: {  	s3 =	sld [smem:$0x3FFD];
	_ =	sdelay $0x3  }
0x9c: {  	_ =	strace s3  }
0x9d: {  	_ =	strace $0x8FFFFFFF  }
0x9e: {  	s19 =	sld [smem:$0x3FDB];
	_ =	sdelay $0x1  }
0x9f: {  	s20 =	simm.s32 $_scs_section_size  }
0xa0: {  	s5 =	simm.s32 $_size__tile_overlayer_lowered;
	s6 =	simm.s32 $_tile_overlayer_lowered  }
0xa1: {  	s23 =	simm.s32 $0x1BFF;
	s22 =	sshll.u32 s6, $0x1;
	s3 =	sadd.s32 s20, s19  }
0xa2: {  	s7 =	simm.s32 $0x0;
	s21 =	sshll.u32 s5, $0x1;
	s5 =	sadd.s32 s22, s3  }
0xa3: {  	[timem:s7], [sflag:s23] =	dma.local [hbm:s5], s21  }
0xa4: {  	_ =	swait.ge [sflag:s23], s21  }
0xa5: {  	s4 =	ssub.s32 $0x0, s21;
	[sflag:s23] =	ssyncset.done $0x0  }
0xa6: {  	[sflag:s23] =	ssyncadd.s32 s4;
	_ =	sdelay $0x1  }
0xa7: {  	s24 =	simm.s32 $0x1B8B  }
0xa8: {  	_ =	swait.ge [sflag:s24], $0x1  }
0xa9: {  	[sflag:s24] =	ssyncset.done $0x0  }
0xaa: {  	s25 =	simm.s32 $0x1B8E;
	[sflag:s24] =	ssyncadd.s32 $0xFFFFFFFF  }
0xab: {  	s26 =	simm.s32 $execute0_lowered;
	[smem:$0x3FD2] =	sst s25  }
0xac: {  	s4 =	sshll.u32 s26, $0x1;
	_ =	strace $0x80000046;
	[dreg:$0x1] =	wrdreg $0xFFFFFFFF  }
0xad: {  	s28 =	simm.s32 $_size_execute0_lowered;
	s3 =	sadd.s32 s3, s4;
	[dreg:$0x0] =	wrdreg $0x0  }
0xae: {  	s4 =	sshll.u32 s28, $0x1;
	[dreg:$0x2] =	wrdreg s3  }
0xaf: {  	[dreg:$0x3] =	wrdreg s4  }
0xb0: {  	[dreg:$0x4] =	wrdreg $0xC0  }
0xb1: {  	_ =	task [dreg:s7], $0x5FFFF  }
0xb2: {  	[dreg:$0x1] =	wrdreg $0xFFFFFFFF  }
0xb3: {  	[dreg:$0x0] =	wrdreg $0x60  }
0xb4: {  	[dreg:$0x2] =	wrdreg s17  }
0xb5: {  	[dreg:$0x3] =	wrdreg $0x9  }
0xb6: {  	_ =	task.clear_ibuf [dreg:s7], $0x4FFFF;
	_ =	strace $0x90000046  }
0xb7: {  	s29 =	simm.s32 $0x9;
	_ =	strace $0x80000048  }
0xb8: {  	_ =	swait.ge [sflag:s29], $0x1  }
0xb9: {  	[sflag:s29] =	ssyncadd.s32 $0xFFFFFFFF  }
0xba: {  	_ =	strace $0x90000048  }
0xbb: {  	_ =	sfence  }
0xbc: {  	s30 =	sld [smem:$0x0];
	_ =	sdelay $0x2  }
0xbd: {  	s31 =	sshll.u32 s1, $0xD;
	s1 =	sshrl.u32 s1, $0x2  }
0xbe: {  	s3 =	sand.u32 $0x4000, s31;
	s1 =	sadd.s32 s1, s30  }
0xbf: {  	s0 =	sor.u32 s3, s0;
	s1 =	sshll.u32 s1, $0x11  }
0xc0: {  	s0 =	sor.u32 s1, s0  }
0xc1: {  	s0 =	sadd.s32 $0x8F2B, s0  }
0xc2: {  	[sflag:s0] =	ssyncadd.remote.s32 $0x1  }
0xc3: {  	_ =	sfence.sel $0xFFFF  }
0xc4: {  	[dreg:$0x0] =	wrdreg $0xFFFFFFFF;
	(pc) =	sbr.abs _section_cstart, $3  }
0xc5: {  	[dreg:$0x1] =	wrdreg $0xFFFFFFFF  }
0xc6: {  	_ =	task.clear_ibuf [dreg:s7], $0x2FFFF;
	_ =	strace $0x9FFFFFFF  }
0xc7: {  	(tm) =	ssettm $0x7FFFFFFF  }
tec
execute0_lowered:
.L_overlay_start_1:
0x0: {  	(tag) =	ssettag $0x1  }
0x1: {  	s0 =	srdreg.scid  }
0x2: {  	s3 =	sand.u32 $0x1, s0;
	s0 =	stileid.u32  }
0x3: {  	s4 =	sor.u32 s0, s3  }
0x4: {  	p0 =	sne.s32 s4, $0x0  }
.Ltmp0:
0x5: {  	_ = 	snop;
	(pc) =	sbr.rel @p0 .LBB2_4-.Ltmp0, $3  }
0x6: {  	_ =	sdelay $0x1  }
0x7: {  	s2 =	rddreg [dreg:$0x0]  }
0x8: {  	s1 =	rddreg [dreg:$0x1];
	_ =	strace $0x80000047  }
0x9: {  	s3 =	ssub.s32 $0x2, s3  }
0xa: {  	s4 =	sshrl.u32 s3, $0x1  }
0xb: {  	s5 =	ssub.s32 s3, s4  }
0xc: {  	p0 =	sne.s32 s5, $0x1  }
.Ltmp1:
0xd: {  	v0 =	vimm.f32 $1.000000000e+00;
	(pc) =	sbr.rel @!p0 .LBB2_3-.Ltmp1, $4  }
0xe: {  	[tilespmem:$0x0] =	vst v0;
	s4 =	simm.s32 $0x0;
	s3 =	simm.s32 $0x1  }
0xf: {  	[hbm4b:s2+s4] =	stream.linear.scatter [tilespmem:s4], [sflag:$0x1], $0x80, $0x38;
	[tilespmem:$0x80] =	vst v63  }
0x10: {  	_ =	swait.ge [sflag:s3], $0x80  }
0x11: {  	s5 =	sadd.s32 $0xFFFFFFFF, s5;
	[sflag:s3] =	ssyncset.done $0x0  }
.LBB2_2:
0x12: {  	p0 =	sne.s32 s5, $0x1;
	s5 =	sadd.s32 $0xFFFFFFFF, s5;
	[sflag:s3] =	ssyncadd.s32 $0xFFFFFF80  }
.Ltmp2:
0x13: {  	(pc) =	sbr.rel @p0 .LBB2_2-.Ltmp2, $4  }
0x14: {  	[tilespmem:$0x0] =	vst v0  }
0x15: {  	[hbm4b:s2+s4] =	stream.linear.scatter [tilespmem:s4], [sflag:$0x1], $0x80, $0x38;
	[tilespmem:$0x80] =	vst v63  }
0x16: {  	_ =	swait.ge [sflag:s3], $0x80  }
0x17: {  	[sflag:s3] =	ssyncset.done $0x0  }
.LBB2_3:
0x18: {  	[sflag:s3] =	ssyncadd.s32 $0xFFFFFF80  }
.LBB2_4:
0x19: {  	_ =	sfence.sel $0x180000  }
0x1a: {  	[bflag:$0x0] =	sbarrier.arrive $0xFFFF  }
0x1b: {  	p0 =	sne.s32 s0, $0x0;
	_ =	strace $0x90000047  }
0x1c: {  	s0 =	sadd.s32 @!p0 $0x100000, s1;
	[bflag:$0x2] =	sbarrier.arrive $0xFFFF  }
0x1d: {  	[sflag:s0] =	ssyncadd.tile.s32 @!p0 $0x1;
	_ =	shalt  }
.Lfunc_end2:
_tile_overlayer_lowered:
.L_overlay_start_2:
0x1e: {  	(tag) =	ssettag $0x2  }
0x1f: {  	s0 =	rddreg [dreg:$0x0];
	s2 =	stileid.u32  }
0x20: {  	s1 =	rddreg [dreg:$0x1];
	p0 =	sne.s32 s2, $0x0  }
0x21: {  	s3 =	rddreg [dreg:$0x2];
	[bflag:$0x3] =	sbarrier.arrive $0xFFFF;
	s2 =	simm.s32 @!p0 $0x1C01  }
0x22: {  	[timem:s3], [sflag:s2] =	dma.local @!p0 [hbm:s0], s1  }
0x23: {  	s0 =	simm.s32 @!p0 $0x1  }
0x24: {  	_ =	swait.ge @!p0 [sflag:s0], s1  }
0x25: {  	s1 =	ssub.s32 @!p0 $0x0, s1;
	[sflag:s0] =	ssyncset.done @!p0 $0x0  }
0x26: {  	[sflag:s0] =	ssyncadd.s32 @!p0 s1  }
0x27: {  	[bflag:$0x3] =	sbarrier.arrive $0xFFFF  }
0x28: {  	_ =	shalt  }

</sc_bundles>
